<compile_context>
chip_gen: v7x
topology: tpu7x:2x2x1
jax: 0.10.2.dev20260603
libtpu: 0.0.44.dev20260713+nightly
codegen_flags: <defaults>
</compile_context>

<pallas_src>
import functools

import jax
import jax.numpy as jnp
from jax import lax
from jax.experimental import pallas as pl
from jax.experimental.pallas import tpu as pltpu
from jax.experimental.pallas import tpu_sc as plsc

N_NODES = 10000
N_EDGES = 320000
D = 128
D_EDGE = 16

C = 128
NSUB = C // 128
NUM_CHUNKS = N_EDGES // C
NC = 2
NS = 16
NW = NC * NS
T = (NUM_CHUNKS + NW - 1) // NW
ROWS_A = 624
ROWS_LAST = N_NODES - (NS - 1) * ROWS_A


def _edge_linear(edge_attr, W_e, b_e):
    EB = 2000

    def body(a_ref, w_ref, b_ref, o_ref):
        o_ref[...] = lax.dot_general(
            a_ref[...], w_ref[...], (((1,), (1,)), ((), ())),
            preferred_element_type=jnp.float32) + b_ref[...]

    return pl.pallas_call(
        body,
        grid=(N_EDGES // EB,),
        in_specs=[
            pl.BlockSpec((EB, D_EDGE), lambda i: (i, 0)),
            pl.BlockSpec((D, D_EDGE), lambda i: (0, 0)),
            pl.BlockSpec((1, D), lambda i: (0, 0)),
        ],
        out_specs=pl.BlockSpec((EB, D), lambda i: (i, 0)),
        out_shape=jax.ShapeDtypeStruct((N_EDGES, D), jnp.float32),
    )(edge_attr, W_e, b_e.reshape(1, D))


def _sc_aggregate(x, e, src2d, dst2d, zeros):
    mesh = plsc.VectorSubcoreMesh(core_axis_name="c", subcore_axis_name="s")

    @functools.partial(
        pl.kernel,
        out_type=jax.ShapeDtypeStruct((NC, N_NODES, D), jnp.float32),
        mesh=mesh,
        scratch_types=[
            pltpu.VMEM((NSUB, 128), jnp.int32),
            pltpu.VMEM((NSUB, 128), jnp.int32),
            pltpu.VMEM((C, D), jnp.float32),
            pltpu.VMEM((C, D), jnp.float32),
            pltpu.VMEM_SHARED((N_NODES, D), jnp.float32),
            pltpu.SemaphoreType.DMA,
        ],
    )
    def body(x_hbm, e_hbm, src_hbm, dst_hbm, z_hbm, out_hbm,
             idx_s, idx_d, xrows, erows, shared, sem):
        cid = lax.axis_index("c")
        sid = lax.axis_index("s")
        wid = sid * NC + cid

        @pl.when(sid < NS - 1)
        def _():
            pltpu.sync_copy(z_hbm.at[pl.ds(0, ROWS_A)],
                            shared.at[pl.ds(sid * ROWS_A, ROWS_A)])

        @pl.when(sid == NS - 1)
        def _():
            pltpu.sync_copy(z_hbm.at[pl.ds(0, ROWS_LAST)],
                            shared.at[pl.ds((NS - 1) * ROWS_A, ROWS_LAST)])

        plsc.subcore_barrier()

        def chunk_body(t, carry):
            c = t * NW + wid

            @pl.when(c < NUM_CHUNKS)
            def _():
                pltpu.sync_copy(src_hbm.at[pl.ds(c * NSUB, NSUB)], idx_s)
                pltpu.sync_copy(dst_hbm.at[pl.ds(c * NSUB, NSUB)], idx_d)
                pltpu.sync_copy(e_hbm.at[pl.ds(c * C, C)], erows)
                cps = [
                    pltpu.async_copy(x_hbm.at[idx_s.at[j]],
                                     xrows.at[pl.ds(j * 128, 128)], sem)
                    for j in range(NSUB)
                ]
                for cp in cps:
                    cp.wait()

                def row_body(r, _):
                    for j in range(D // 16):
                        v = xrows[r, pl.ds(j * 16, 16)] + erows[r, pl.ds(j * 16, 16)]
                        erows[r, pl.ds(j * 16, 16)] = jnp.maximum(v, 0.0)
                    return 0

                lax.fori_loop(0, C, row_body, 0)

                for j in range(NSUB):
                    pltpu.sync_copy(erows.at[pl.ds(j * 128, 128)],
                                    shared.at[idx_d.at[j]], add=True)

            return carry

        lax.fori_loop(0, T, chunk_body, 0)

        plsc.subcore_barrier()

        @pl.when(sid < NS - 1)
        def _():
            pltpu.sync_copy(shared.at[pl.ds(sid * ROWS_A, ROWS_A)],
                            out_hbm.at[cid, pl.ds(sid * ROWS_A, ROWS_A)])

        @pl.when(sid == NS - 1)
        def _():
            pltpu.sync_copy(shared.at[pl.ds((NS - 1) * ROWS_A, ROWS_LAST)],
                            out_hbm.at[cid, pl.ds((NS - 1) * ROWS_A, ROWS_LAST)])

    return body(x, e, src2d, dst2d, zeros)


def _mlp(x, p, W1, b1, gamma, beta, W2, b2):
    def body(x_ref, p_ref, w1_ref, b1_ref, g_ref, be_ref, w2_ref, b2_ref, o_ref):
        h = x_ref[...] + p_ref[0] + p_ref[1]
        h = lax.dot_general(h, w1_ref[...], (((1,), (1,)), ((), ())),
                            preferred_element_type=jnp.float32) + b1_ref[...]
        mu = jnp.mean(h, axis=0, keepdims=True)
        var = jnp.mean((h - mu) ** 2, axis=0, keepdims=True)
        h = (h - mu) / jnp.sqrt(var + 1e-5) * g_ref[...] + be_ref[...]
        h = jnp.maximum(h, 0.0)
        o_ref[...] = lax.dot_general(h, w2_ref[...], (((1,), (1,)), ((), ())),
                                     preferred_element_type=jnp.float32) + b2_ref[...]

    return pl.pallas_call(
        body,
        out_shape=jax.ShapeDtypeStruct((N_NODES, D), jnp.float32),
    )(x, p, W1, b1.reshape(1, D), gamma.reshape(1, D), beta.reshape(1, D),
      W2, b2.reshape(1, D))


def kernel(x, edge_index, edge_attr, W_e, b_e, W1, b1, gamma, beta, W2, b2):
    ei = edge_index.astype(jnp.int32)
    src2d = ei[0].reshape(NUM_CHUNKS * NSUB, 128)
    dst2d = ei[1].reshape(NUM_CHUNKS * NSUB, 128)
    e = _edge_linear(edge_attr, W_e, b_e)
    zeros = jnp.zeros((ROWS_LAST, D), jnp.float32)
    p = _sc_aggregate(x, e, src2d, dst2d, zeros)
    return _mlp(x, p, W1, b1, gamma, beta, W2, b2)

# --- scband reference (transcript-rebuilt; emitter-appended) ---
"""Pipeline reference for scband-gine-2095944040567 (READ-ONLY COPY).

The authoritative reference and input builder live on the scoring server;
editing this copy changes nothing except your own understanding.
"""

import jax, jax.numpy as jnp
import numpy as np

N_NODES = 10000
N_EDGES = 320000
D_FEAT = 128
D_EDGE = 16

def setup_inputs(seed: int = 0) -> dict:
    key = jax.random.key(seed)
    ks = jax.random.split(key, 12)
    x = jax.random.normal(ks[0], (N_NODES, D_FEAT), dtype=jnp.float32)
    edge_index = jax.random.randint(ks[1], (2, N_EDGES), 0, N_NODES, dtype=jnp.int64)
    edge_attr = jax.random.normal(ks[2], (N_EDGES, D_EDGE), dtype=jnp.float32)
    # GINEConv edge linear: edge_dim -> in_channels
    W_e = jax.random.normal(ks[3], (D_FEAT, D_EDGE), dtype=jnp.float32) * (1.0 / np.sqrt(D_EDGE))
    b_e = jnp.zeros((D_FEAT,), dtype=jnp.float32)
    # MLP: Linear(128,128) -> BatchNorm1d(128) -> ReLU -> Linear(128,128)
    W1 = jax.random.normal(ks[4], (D_FEAT, D_FEAT), dtype=jnp.float32) * (1.0 / np.sqrt(D_FEAT))
    b1 = jnp.zeros((D_FEAT,), dtype=jnp.float32)
    gamma = jnp.ones((D_FEAT,), dtype=jnp.float32)
    beta = jnp.zeros((D_FEAT,), dtype=jnp.float32)
    W2 = jax.random.normal(ks[5], (D_FEAT, D_FEAT), dtype=jnp.float32) * (1.0 / np.sqrt(D_FEAT))
    b2 = jnp.zeros((D_FEAT,), dtype=jnp.float32)
    return {"x": x, "edge_index": edge_index, "edge_attr": edge_attr,
            "W_e": W_e, "b_e": b_e, "W1": W1, "b1": b1,
            "gamma": gamma, "beta": beta, "W2": W2, "b2": b2}

def reference(x, edge_index, edge_attr, W_e, b_e, W1, b1, gamma, beta, W2, b2):
    src = edge_index[0]
    dst = edge_index[1]
    # GINEConv message: ReLU(x_j + lin(edge_attr))
    e = edge_attr @ W_e.T + b_e
    msg = jax.nn.relu(x[src] + e)
    # sum aggregation by destination node
    aggr = jax.ops.segment_sum(msg, dst, num_segments=x.shape[0])
    # (1 + eps) * x + aggr, eps = 0 (train_eps=False)
    h = x + aggr
    # MLP: Linear -> BatchNorm1d (training-mode batch stats) -> ReLU -> Linear
    h = h @ W1.T + b1
    mu = jnp.mean(h, axis=0)
    var = jnp.mean((h - mu) ** 2, axis=0)
    h = (h - mu) / jnp.sqrt(var + 1e-5) * gamma + beta
    h = jax.nn.relu(h)
    out = h @ W2.T + b2
    return out

if __name__ == "__main__":
    import jax
    _d = setup_inputs()
    print(jax.jit(kernel)(*tuple(_d.values())))

</pallas_src>

<mosaic_0001>
#map = affine_map<(d0, d1) -> (0, 0)>
#map1 = affine_map<(d0, d1) -> (0, 0, 0)>
module attributes {stable_mosaic.version = 14 : i64} {
  func.func @body(%arg0: i32, %arg1: i32, %arg2: memref<10000x128xf32, #tpu.memory_space<hbm>>, %arg3: memref<320000x128xf32, #tpu.memory_space<hbm>>, %arg4: memref<2500x128xi32, #tpu.memory_space<hbm>>, %arg5: memref<2500x128xi32, #tpu.memory_space<hbm>>, %arg6: memref<640x128xf32, #tpu.memory_space<hbm>>, %arg7: memref<2x10000x128xf32, #tpu.memory_space<hbm>>, %arg8: memref<1x128xi32, #tpu.memory_space<vmem>>, %arg9: memref<1x128xi32, #tpu.memory_space<vmem>>, %arg10: memref<128x128xf32, #tpu.memory_space<vmem>>, %arg11: memref<128x128xf32, #tpu.memory_space<vmem>>, %arg12: memref<10000x128xf32, #tpu.memory_space<vmem_shared>>, %arg13: memref<!tpu.dma_semaphore, #tpu.memory_space<semaphore_mem>>) attributes {dimension_semantics = [#tpu.dimension_semantics<core_parallel>, #tpu.dimension_semantics<subcore_parallel>], iteration_bounds = array<i64: 2, 16>, scalar_prefetch = 0 : i64, scratch_operands = 6 : i64, tpu.core_type = #tpu.core_type<sc_vector_subcore>, window_params = [{transform_indices = #map}, {transform_indices = #map}, {transform_indices = #map}, {transform_indices = #map}, {transform_indices = #map}, {transform_indices = #map1}]} {
    %mul3A = arith.constant 2 : i32
    %mul3A_0 = arith.muli %arg1, %mul3A : i32
    %add3A = arith.addi %mul3A_0, %arg0 : i32
    %lt3A = arith.constant 15 : i32
    %lt3A_1 = arith.cmpi slt, %arg1, %lt3A : i32
    %convert_element_type3A = arith.extui %lt3A_1 : i1 to i32
    %cond3A = arith.constant 0 : i32
    %cond3A_2 = arith.cmpi ne, %convert_element_type3A, %cond3A : i32
    scf.if %cond3A_2 {
      %mul3A_23 = arith.constant 624 : i32
      %mul3A_24 = arith.muli %arg1, %mul3A_23 : i32
      "tpu.region"() ({
        %run_scoped3A = tpu.sem_alloc : memref<!tpu.dma_semaphore, #tpu.memory_space<semaphore_mem>>
        %dma_start3A = arith.constant 0 : i32
        %dma_start3A_25 = tpu.memref_slice %arg12[%mul3A_24, %dma_start3A] : memref<10000x128xf32, #tpu.memory_space<vmem_shared>> -> memref<624x128xf32, #tpu.memory_space<vmem_shared>>
        %dma_start3A_26 = arith.constant 0 : i32
        %dma_start3A_27 = arith.constant 0 : i32
        %dma_start3A_28 = tpu.memref_slice %arg6[%dma_start3A_26, %dma_start3A_27] : memref<640x128xf32, #tpu.memory_space<hbm>> -> memref<624x128xf32, #tpu.memory_space<hbm>>
        tpu.enqueue_dma source(%dma_start3A_28 : memref<624x128xf32, #tpu.memory_space<hbm>>) target(%dma_start3A_25 : memref<624x128xf32, #tpu.memory_space<vmem_shared>>) target_semaphore(%run_scoped3A : memref<!tpu.dma_semaphore, #tpu.memory_space<semaphore_mem>>)
        %dma_wait3A = arith.constant 0 : i32
        %dma_wait3A_29 = tpu.memref_slice %arg12[%mul3A_24, %dma_wait3A] : memref<10000x128xf32, #tpu.memory_space<vmem_shared>> -> memref<624x128xf32, #tpu.memory_space<vmem_shared>>
        %dma_wait3A_30 = arith.constant 0 : i32
        %dma_wait3A_31 = arith.constant 0 : i32
        %dma_wait3A_32 = tpu.memref_slice %arg6[%dma_wait3A_30, %dma_wait3A_31] : memref<640x128xf32, #tpu.memory_space<hbm>> -> memref<624x128xf32, #tpu.memory_space<hbm>>
        tpu.wait_dma2 semaphore(%run_scoped3A : memref<!tpu.dma_semaphore, #tpu.memory_space<semaphore_mem>>) src(%dma_wait3A_32 : memref<624x128xf32, #tpu.memory_space<hbm>>) dst(%dma_wait3A_29 : memref<624x128xf32, #tpu.memory_space<vmem_shared>>)
        tpu.yield
      }) : () -> ()
    } else {
    }
    %eq3A = arith.constant 15 : i32
    %eq3A_3 = arith.cmpi eq, %arg1, %eq3A : i32
    %convert_element_type3A_4 = arith.extui %eq3A_3 : i1 to i32
    %cond3A_5 = arith.constant 0 : i32
    %cond3A_6 = arith.cmpi ne, %convert_element_type3A_4, %cond3A_5 : i32
    scf.if %cond3A_6 {
      "tpu.region"() ({
        %run_scoped3A = tpu.sem_alloc : memref<!tpu.dma_semaphore, #tpu.memory_space<semaphore_mem>>
        %dma_start3A = arith.constant 9360 : i32
        %dma_start3A_23 = arith.constant 0 : i32
        %dma_start3A_24 = tpu.memref_slice %arg12[%dma_start3A, %dma_start3A_23] : memref<10000x128xf32, #tpu.memory_space<vmem_shared>> -> memref<640x128xf32, #tpu.memory_space<vmem_shared>>
        %dma_start3A_25 = arith.constant 0 : i32
        %dma_start3A_26 = arith.constant 0 : i32
        %dma_start3A_27 = tpu.memref_slice %arg6[%dma_start3A_25, %dma_start3A_26] : memref<640x128xf32, #tpu.memory_space<hbm>> -> memref<640x128xf32, #tpu.memory_space<hbm>>
        tpu.enqueue_dma source(%dma_start3A_27 : memref<640x128xf32, #tpu.memory_space<hbm>>) target(%dma_start3A_24 : memref<640x128xf32, #tpu.memory_space<vmem_shared>>) target_semaphore(%run_scoped3A : memref<!tpu.dma_semaphore, #tpu.memory_space<semaphore_mem>>)
        %dma_wait3A = arith.constant 9360 : i32
        %dma_wait3A_28 = arith.constant 0 : i32
        %dma_wait3A_29 = tpu.memref_slice %arg12[%dma_wait3A, %dma_wait3A_28] : memref<10000x128xf32, #tpu.memory_space<vmem_shared>> -> memref<640x128xf32, #tpu.memory_space<vmem_shared>>
        %dma_wait3A_30 = arith.constant 0 : i32
        %dma_wait3A_31 = arith.constant 0 : i32
        %dma_wait3A_32 = tpu.memref_slice %arg6[%dma_wait3A_30, %dma_wait3A_31] : memref<640x128xf32, #tpu.memory_space<hbm>> -> memref<640x128xf32, #tpu.memory_space<hbm>>
        tpu.wait_dma2 semaphore(%run_scoped3A : memref<!tpu.dma_semaphore, #tpu.memory_space<semaphore_mem>>) src(%dma_wait3A_32 : memref<640x128xf32, #tpu.memory_space<hbm>>) dst(%dma_wait3A_29 : memref<640x128xf32, #tpu.memory_space<vmem_shared>>)
        tpu.yield
      }) : () -> ()
    } else {
    }
    %barrier3A = arith.constant 0 : index
    tpu.barrier barrier_id(%barrier3A)
    %scan3A = arith.constant 0 : i32
    %scan3A_7 = arith.constant 0 : i32
    %scan3A_8 = arith.constant 79 : i32
    %scan3A_9 = arith.addi %scan3A_7, %scan3A_8 : i32
    %scan3A_10 = arith.constant 1 : i32
    scf.for %scan3A_23 = %scan3A_7 to %scan3A_9 step %scan3A_10  : i32 {
      %mul3A_24 = arith.constant 32 : i32
      %mul3A_25 = arith.muli %scan3A_23, %mul3A_24 : i32
      %add3A_26 = arith.addi %mul3A_25, %add3A : i32
      %lt3A_27 = arith.constant 2500 : i32
      %lt3A_28 = arith.cmpi slt, %add3A_26, %lt3A_27 : i32
      %convert_element_type3A_29 = arith.extui %lt3A_28 : i1 to i32
      %cond3A_30 = arith.constant 0 : i32
      %cond3A_31 = arith.cmpi ne, %convert_element_type3A_29, %cond3A_30 : i32
      scf.if %cond3A_31 {
        %mul3A_32 = arith.constant 1 : i32
        %mul3A_33 = arith.muli %add3A_26, %mul3A_32 : i32
        "tpu.region"() ({
          %run_scoped3A_63 = tpu.sem_alloc : memref<!tpu.dma_semaphore, #tpu.memory_space<semaphore_mem>>
          %dma_start3A_64 = arith.constant 0 : i32
          %dma_start3A_65 = tpu.memref_slice %arg4[%mul3A_33, %dma_start3A_64] : memref<2500x128xi32, #tpu.memory_space<hbm>> -> memref<1x128xi32, #tpu.memory_space<hbm>>
          %dma_start3A_66 = arith.constant 0 : i32
          %dma_start3A_67 = tpu.memref_slice %arg4[%mul3A_33, %dma_start3A_66] : memref<2500x128xi32, #tpu.memory_space<hbm>> -> memref<1x128xi32, #tpu.memory_space<hbm>>
          tpu.enqueue_dma source(%dma_start3A_67 : memref<1x128xi32, #tpu.memory_space<hbm>>) target(%arg8 : memref<1x128xi32, #tpu.memory_space<vmem>>) target_semaphore(%run_scoped3A_63 : memref<!tpu.dma_semaphore, #tpu.memory_space<semaphore_mem>>)
          %dma_wait3A_68 = arith.constant 0 : i32
          %dma_wait3A_69 = tpu.memref_slice %arg4[%mul3A_33, %dma_wait3A_68] : memref<2500x128xi32, #tpu.memory_space<hbm>> -> memref<1x128xi32, #tpu.memory_space<hbm>>
          %dma_wait3A_70 = arith.constant 0 : i32
          %dma_wait3A_71 = tpu.memref_slice %arg4[%mul3A_33, %dma_wait3A_70] : memref<2500x128xi32, #tpu.memory_space<hbm>> -> memref<1x128xi32, #tpu.memory_space<hbm>>
          tpu.wait_dma2 semaphore(%run_scoped3A_63 : memref<!tpu.dma_semaphore, #tpu.memory_space<semaphore_mem>>) src(%dma_wait3A_71 : memref<1x128xi32, #tpu.memory_space<hbm>>) dst(%arg8 : memref<1x128xi32, #tpu.memory_space<vmem>>)
          tpu.yield
        }) : () -> ()
        %mul3A_34 = arith.constant 1 : i32
        %mul3A_35 = arith.muli %add3A_26, %mul3A_34 : i32
        "tpu.region"() ({
          %run_scoped3A_63 = tpu.sem_alloc : memref<!tpu.dma_semaphore, #tpu.memory_space<semaphore_mem>>
          %dma_start3A_64 = arith.constant 0 : i32
          %dma_start3A_65 = tpu.memref_slice %arg5[%mul3A_35, %dma_start3A_64] : memref<2500x128xi32, #tpu.memory_space<hbm>> -> memref<1x128xi32, #tpu.memory_space<hbm>>
          %dma_start3A_66 = arith.constant 0 : i32
          %dma_start3A_67 = tpu.memref_slice %arg5[%mul3A_35, %dma_start3A_66] : memref<2500x128xi32, #tpu.memory_space<hbm>> -> memref<1x128xi32, #tpu.memory_space<hbm>>
          tpu.enqueue_dma source(%dma_start3A_67 : memref<1x128xi32, #tpu.memory_space<hbm>>) target(%arg9 : memref<1x128xi32, #tpu.memory_space<vmem>>) target_semaphore(%run_scoped3A_63 : memref<!tpu.dma_semaphore, #tpu.memory_space<semaphore_mem>>)
          %dma_wait3A_68 = arith.constant 0 : i32
          %dma_wait3A_69 = tpu.memref_slice %arg5[%mul3A_35, %dma_wait3A_68] : memref<2500x128xi32, #tpu.memory_space<hbm>> -> memref<1x128xi32, #tpu.memory_space<hbm>>
          %dma_wait3A_70 = arith.constant 0 : i32
          %dma_wait3A_71 = tpu.memref_slice %arg5[%mul3A_35, %dma_wait3A_70] : memref<2500x128xi32, #tpu.memory_space<hbm>> -> memref<1x128xi32, #tpu.memory_space<hbm>>
          tpu.wait_dma2 semaphore(%run_scoped3A_63 : memref<!tpu.dma_semaphore, #tpu.memory_space<semaphore_mem>>) src(%dma_wait3A_71 : memref<1x128xi32, #tpu.memory_space<hbm>>) dst(%arg9 : memref<1x128xi32, #tpu.memory_space<vmem>>)
          tpu.yield
        }) : () -> ()
        %mul3A_36 = arith.constant 128 : i32
        %mul3A_37 = arith.muli %add3A_26, %mul3A_36 : i32
        "tpu.region"() ({
          %run_scoped3A_63 = tpu.sem_alloc : memref<!tpu.dma_semaphore, #tpu.memory_space<semaphore_mem>>
          %dma_start3A_64 = arith.constant 0 : i32
          %dma_start3A_65 = tpu.memref_slice %arg3[%mul3A_37, %dma_start3A_64] : memref<320000x128xf32, #tpu.memory_space<hbm>> -> memref<128x128xf32, #tpu.memory_space<hbm>>
          %dma_start3A_66 = arith.constant 0 : i32
          %dma_start3A_67 = tpu.memref_slice %arg3[%mul3A_37, %dma_start3A_66] : memref<320000x128xf32, #tpu.memory_space<hbm>> -> memref<128x128xf32, #tpu.memory_space<hbm>>
          tpu.enqueue_dma source(%dma_start3A_67 : memref<128x128xf32, #tpu.memory_space<hbm>>) target(%arg11 : memref<128x128xf32, #tpu.memory_space<vmem>>) target_semaphore(%run_scoped3A_63 : memref<!tpu.dma_semaphore, #tpu.memory_space<semaphore_mem>>)
          %dma_wait3A_68 = arith.constant 0 : i32
          %dma_wait3A_69 = tpu.memref_slice %arg3[%mul3A_37, %dma_wait3A_68] : memref<320000x128xf32, #tpu.memory_space<hbm>> -> memref<128x128xf32, #tpu.memory_space<hbm>>
          %dma_wait3A_70 = arith.constant 0 : i32
          %dma_wait3A_71 = tpu.memref_slice %arg3[%mul3A_37, %dma_wait3A_70] : memref<320000x128xf32, #tpu.memory_space<hbm>> -> memref<128x128xf32, #tpu.memory_space<hbm>>
          tpu.wait_dma2 semaphore(%run_scoped3A_63 : memref<!tpu.dma_semaphore, #tpu.memory_space<semaphore_mem>>) src(%dma_wait3A_71 : memref<128x128xf32, #tpu.memory_space<hbm>>) dst(%arg11 : memref<128x128xf32, #tpu.memory_space<vmem>>)
          tpu.yield
        }) : () -> ()
        %dma_start3A = arith.constant 0 : i32
        %dma_start3A_38 = arith.constant 0 : i32
        %dma_start3A_39 = arith.constant 0 : i32
        %dma_start3A_40 = tpu.memref_slice %arg10[%dma_start3A_38, %dma_start3A_39] : memref<128x128xf32, #tpu.memory_space<vmem>> -> memref<128x128xf32, #tpu.memory_space<vmem>>
        %dma_start3A_41 = arith.constant 0 : i32
        %dma_start3A_42 = tpu.memref_slice %arg8[%dma_start3A, %dma_start3A_41] : memref<1x128xi32, #tpu.memory_space<vmem>> -> memref<1x128xi32, #tpu.memory_space<vmem>>
        %dma_start3A_43 = tpu.memref_squeeze %dma_start3A_42 : memref<1x128xi32, #tpu.memory_space<vmem>> -> memref<128xi32, #tpu.memory_space<vmem>>
        %dma_start3A_44 = arith.constant 0 : i32
        %dma_start3A_45 = arith.constant 0 : i32
        %dma_start3A_46 = tpu.memref_slice %arg2[%dma_start3A_44, %dma_start3A_45] : memref<10000x128xf32, #tpu.memory_space<hbm>> -> memref<10000x128xf32, #tpu.memory_space<hbm>>
        tpu.enqueue_indirect_dma source(%dma_start3A_46 : memref<10000x128xf32, #tpu.memory_space<hbm>>) target(%dma_start3A_40 : memref<128x128xf32, #tpu.memory_space<vmem>>) offsets(%dma_start3A_43 : memref<128xi32, #tpu.memory_space<vmem>>) semaphore(%arg13 : memref<!tpu.dma_semaphore, #tpu.memory_space<semaphore_mem>>)
        %dma_wait3A = arith.constant 0 : i32
        %dma_wait3A_47 = arith.constant 0 : i32
        %dma_wait3A_48 = arith.constant 0 : i32
        %dma_wait3A_49 = tpu.memref_slice %arg10[%dma_wait3A_47, %dma_wait3A_48] : memref<128x128xf32, #tpu.memory_space<vmem>> -> memref<128x128xf32, #tpu.memory_space<vmem>>
        %dma_wait3A_50 = arith.constant 0 : i32
        %dma_wait3A_51 = tpu.memref_slice %arg8[%dma_wait3A, %dma_wait3A_50] : memref<1x128xi32, #tpu.memory_space<vmem>> -> memref<1x128xi32, #tpu.memory_space<vmem>>
        %dma_wait3A_52 = tpu.memref_squeeze %dma_wait3A_51 : memref<1x128xi32, #tpu.memory_space<vmem>> -> memref<128xi32, #tpu.memory_space<vmem>>
        %dma_wait3A_53 = arith.constant 0 : i32
        %dma_wait3A_54 = arith.constant 0 : i32
        %dma_wait3A_55 = tpu.memref_slice %arg2[%dma_wait3A_53, %dma_wait3A_54] : memref<10000x128xf32, #tpu.memory_space<hbm>> -> memref<10000x128xf32, #tpu.memory_space<hbm>>
        tpu.wait_indirect_dma semaphore(%arg13 : memref<!tpu.dma_semaphore, #tpu.memory_space<semaphore_mem>>) src(%dma_wait3A_55 : memref<10000x128xf32, #tpu.memory_space<hbm>>) dst(%dma_wait3A_49 : memref<128x128xf32, #tpu.memory_space<vmem>>)
        %scan3A_56 = arith.constant 0 : i32
        %scan3A_57 = arith.constant 0 : i32
        %scan3A_58 = arith.constant 128 : i32
        %scan3A_59 = arith.addi %scan3A_57, %scan3A_58 : i32
        %scan3A_60 = arith.constant 1 : i32
        %scan3A_61 = scf.for %scan3A_63 = %scan3A_57 to %scan3A_59 step %scan3A_60 iter_args(%scan3A_64 = %scan3A_56) -> (i32)  : i32 {
          %get3A = arith.index_cast %scan3A_63 : i32 to index
          %get3A_65 = arith.constant 0 : index
          %get3A_66 = tpu.vector_load %arg10[%get3A, %get3A_65] {strides = array<i32>} : memref<128x128xf32, #tpu.memory_space<vmem>>, vector<1x16xf32>,
          %get3A_67 = vector.shape_cast %get3A_66 : vector<1x16xf32> to vector<16xf32>
          %get3A_68 = arith.index_cast %scan3A_63 : i32 to index
          %get3A_69 = arith.constant 0 : index
          %get3A_70 = tpu.vector_load %arg11[%get3A_68, %get3A_69] {strides = array<i32>} : memref<128x128xf32, #tpu.memory_space<vmem>>, vector<1x16xf32>,
          %get3A_71 = vector.shape_cast %get3A_70 : vector<1x16xf32> to vector<16xf32>
          %add3A_72 = arith.addf %get3A_67, %get3A_71 : vector<16xf32>
          %max3A = arith.constant 0.000000e+00 : f32
          %max3A_73 = vector.broadcast %max3A : f32 to vector<16xf32>
          %max3A_74 = arith.maximumf %add3A_72, %max3A_73 : vector<16xf32>
          %swap3A = arith.index_cast %scan3A_63 : i32 to index
          %swap3A_75 = arith.constant 0 : index
          %swap3A_76 = tpu.vector_load %arg11[%swap3A, %swap3A_75] {strides = array<i32>} : memref<128x128xf32, #tpu.memory_space<vmem>>, vector<1x16xf32>,
          %swap3A_77 = vector.shape_cast %swap3A_76 : vector<1x16xf32> to vector<16xf32>
          %swap3A_78 = vector.shape_cast %max3A_74 : vector<16xf32> to vector<1x16xf32>
          tpu.vector_store %arg11[%swap3A, %swap3A_75], %swap3A_78 {strides = array<i32>} : memref<128x128xf32, #tpu.memory_space<vmem>>, vector<1x16xf32>,
          %get3A_79 = arith.index_cast %scan3A_63 : i32 to index
          %get3A_80 = arith.constant 16 : index
          %get3A_81 = tpu.vector_load %arg10[%get3A_79, %get3A_80] {strides = array<i32>} : memref<128x128xf32, #tpu.memory_space<vmem>>, vector<1x16xf32>,
          %get3A_82 = vector.shape_cast %get3A_81 : vector<1x16xf32> to vector<16xf32>
          %get3A_83 = arith.index_cast %scan3A_63 : i32 to index
          %get3A_84 = arith.constant 16 : index
          %get3A_85 = tpu.vector_load %arg11[%get3A_83, %get3A_84] {strides = array<i32>} : memref<128x128xf32, #tpu.memory_space<vmem>>, vector<1x16xf32>,
          %get3A_86 = vector.shape_cast %get3A_85 : vector<1x16xf32> to vector<16xf32>
          %add3A_87 = arith.addf %get3A_82, %get3A_86 : vector<16xf32>
          %max3A_88 = arith.constant 0.000000e+00 : f32
          %max3A_89 = vector.broadcast %max3A_88 : f32 to vector<16xf32>
          %max3A_90 = arith.maximumf %add3A_87, %max3A_89 : vector<16xf32>
          %swap3A_91 = arith.index_cast %scan3A_63 : i32 to index
          %swap3A_92 = arith.constant 16 : index
          %swap3A_93 = tpu.vector_load %arg11[%swap3A_91, %swap3A_92] {strides = array<i32>} : memref<128x128xf32, #tpu.memory_space<vmem>>, vector<1x16xf32>,
          %swap3A_94 = vector.shape_cast %swap3A_93 : vector<1x16xf32> to vector<16xf32>
          %swap3A_95 = vector.shape_cast %max3A_90 : vector<16xf32> to vector<1x16xf32>
          tpu.vector_store %arg11[%swap3A_91, %swap3A_92], %swap3A_95 {strides = array<i32>} : memref<128x128xf32, #tpu.memory_space<vmem>>, vector<1x16xf32>,
          %get3A_96 = arith.index_cast %scan3A_63 : i32 to index
          %get3A_97 = arith.constant 32 : index
          %get3A_98 = tpu.vector_load %arg10[%get3A_96, %get3A_97] {strides = array<i32>} : memref<128x128xf32, #tpu.memory_space<vmem>>, vector<1x16xf32>,
          %get3A_99 = vector.shape_cast %get3A_98 : vector<1x16xf32> to vector<16xf32>
          %get3A_100 = arith.index_cast %scan3A_63 : i32 to index
          %get3A_101 = arith.constant 32 : index
          %get3A_102 = tpu.vector_load %arg11[%get3A_100, %get3A_101] {strides = array<i32>} : memref<128x128xf32, #tpu.memory_space<vmem>>, vector<1x16xf32>,
          %get3A_103 = vector.shape_cast %get3A_102 : vector<1x16xf32> to vector<16xf32>
          %add3A_104 = arith.addf %get3A_99, %get3A_103 : vector<16xf32>
          %max3A_105 = arith.constant 0.000000e+00 : f32
          %max3A_106 = vector.broadcast %max3A_105 : f32 to vector<16xf32>
          %max3A_107 = arith.maximumf %add3A_104, %max3A_106 : vector<16xf32>
          %swap3A_108 = arith.index_cast %scan3A_63 : i32 to index
          %swap3A_109 = arith.constant 32 : index
          %swap3A_110 = tpu.vector_load %arg11[%swap3A_108, %swap3A_109] {strides = array<i32>} : memref<128x128xf32, #tpu.memory_space<vmem>>, vector<1x16xf32>,
          %swap3A_111 = vector.shape_cast %swap3A_110 : vector<1x16xf32> to vector<16xf32>
          %swap3A_112 = vector.shape_cast %max3A_107 : vector<16xf32> to vector<1x16xf32>
          tpu.vector_store %arg11[%swap3A_108, %swap3A_109], %swap3A_112 {strides = array<i32>} : memref<128x128xf32, #tpu.memory_space<vmem>>, vector<1x16xf32>,
          %get3A_113 = arith.index_cast %scan3A_63 : i32 to index
          %get3A_114 = arith.constant 48 : index
          %get3A_115 = tpu.vector_load %arg10[%get3A_113, %get3A_114] {strides = array<i32>} : memref<128x128xf32, #tpu.memory_space<vmem>>, vector<1x16xf32>,
          %get3A_116 = vector.shape_cast %get3A_115 : vector<1x16xf32> to vector<16xf32>
          %get3A_117 = arith.index_cast %scan3A_63 : i32 to index
          %get3A_118 = arith.constant 48 : index
          %get3A_119 = tpu.vector_load %arg11[%get3A_117, %get3A_118] {strides = array<i32>} : memref<128x128xf32, #tpu.memory_space<vmem>>, vector<1x16xf32>,
          %get3A_120 = vector.shape_cast %get3A_119 : vector<1x16xf32> to vector<16xf32>
          %add3A_121 = arith.addf %get3A_116, %get3A_120 : vector<16xf32>
          %max3A_122 = arith.constant 0.000000e+00 : f32
          %max3A_123 = vector.broadcast %max3A_122 : f32 to vector<16xf32>
          %max3A_124 = arith.maximumf %add3A_121, %max3A_123 : vector<16xf32>
          %swap3A_125 = arith.index_cast %scan3A_63 : i32 to index
          %swap3A_126 = arith.constant 48 : index
          %swap3A_127 = tpu.vector_load %arg11[%swap3A_125, %swap3A_126] {strides = array<i32>} : memref<128x128xf32, #tpu.memory_space<vmem>>, vector<1x16xf32>,
          %swap3A_128 = vector.shape_cast %swap3A_127 : vector<1x16xf32> to vector<16xf32>
          %swap3A_129 = vector.shape_cast %max3A_124 : vector<16xf32> to vector<1x16xf32>
          tpu.vector_store %arg11[%swap3A_125, %swap3A_126], %swap3A_129 {strides = array<i32>} : memref<128x128xf32, #tpu.memory_space<vmem>>, vector<1x16xf32>,
          %get3A_130 = arith.index_cast %scan3A_63 : i32 to index
          %get3A_131 = arith.constant 64 : index
          %get3A_132 = tpu.vector_load %arg10[%get3A_130, %get3A_131] {strides = array<i32>} : memref<128x128xf32, #tpu.memory_space<vmem>>, vector<1x16xf32>,
          %get3A_133 = vector.shape_cast %get3A_132 : vector<1x16xf32> to vector<16xf32>
          %get3A_134 = arith.index_cast %scan3A_63 : i32 to index
          %get3A_135 = arith.constant 64 : index
          %get3A_136 = tpu.vector_load %arg11[%get3A_134, %get3A_135] {strides = array<i32>} : memref<128x128xf32, #tpu.memory_space<vmem>>, vector<1x16xf32>,
          %get3A_137 = vector.shape_cast %get3A_136 : vector<1x16xf32> to vector<16xf32>
          %add3A_138 = arith.addf %get3A_133, %get3A_137 : vector<16xf32>
          %max3A_139 = arith.constant 0.000000e+00 : f32
          %max3A_140 = vector.broadcast %max3A_139 : f32 to vector<16xf32>
          %max3A_141 = arith.maximumf %add3A_138, %max3A_140 : vector<16xf32>
          %swap3A_142 = arith.index_cast %scan3A_63 : i32 to index
          %swap3A_143 = arith.constant 64 : index
          %swap3A_144 = tpu.vector_load %arg11[%swap3A_142, %swap3A_143] {strides = array<i32>} : memref<128x128xf32, #tpu.memory_space<vmem>>, vector<1x16xf32>,
          %swap3A_145 = vector.shape_cast %swap3A_144 : vector<1x16xf32> to vector<16xf32>
          %swap3A_146 = vector.shape_cast %max3A_141 : vector<16xf32> to vector<1x16xf32>
          tpu.vector_store %arg11[%swap3A_142, %swap3A_143], %swap3A_146 {strides = array<i32>} : memref<128x128xf32, #tpu.memory_space<vmem>>, vector<1x16xf32>,
          %get3A_147 = arith.index_cast %scan3A_63 : i32 to index
          %get3A_148 = arith.constant 80 : index
          %get3A_149 = tpu.vector_load %arg10[%get3A_147, %get3A_148] {strides = array<i32>} : memref<128x128xf32, #tpu.memory_space<vmem>>, vector<1x16xf32>,
          %get3A_150 = vector.shape_cast %get3A_149 : vector<1x16xf32> to vector<16xf32>
          %get3A_151 = arith.index_cast %scan3A_63 : i32 to index
          %get3A_152 = arith.constant 80 : index
          %get3A_153 = tpu.vector_load %arg11[%get3A_151, %get3A_152] {strides = array<i32>} : memref<128x128xf32, #tpu.memory_space<vmem>>, vector<1x16xf32>,
          %get3A_154 = vector.shape_cast %get3A_153 : vector<1x16xf32> to vector<16xf32>
          %add3A_155 = arith.addf %get3A_150, %get3A_154 : vector<16xf32>
          %max3A_156 = arith.constant 0.000000e+00 : f32
          %max3A_157 = vector.broadcast %max3A_156 : f32 to vector<16xf32>
          %max3A_158 = arith.maximumf %add3A_155, %max3A_157 : vector<16xf32>
          %swap3A_159 = arith.index_cast %scan3A_63 : i32 to index
          %swap3A_160 = arith.constant 80 : index
          %swap3A_161 = tpu.vector_load %arg11[%swap3A_159, %swap3A_160] {strides = array<i32>} : memref<128x128xf32, #tpu.memory_space<vmem>>, vector<1x16xf32>,
          %swap3A_162 = vector.shape_cast %swap3A_161 : vector<1x16xf32> to vector<16xf32>
          %swap3A_163 = vector.shape_cast %max3A_158 : vector<16xf32> to vector<1x16xf32>
          tpu.vector_store %arg11[%swap3A_159, %swap3A_160], %swap3A_163 {strides = array<i32>} : memref<128x128xf32, #tpu.memory_space<vmem>>, vector<1x16xf32>,
          %get3A_164 = arith.index_cast %scan3A_63 : i32 to index
          %get3A_165 = arith.constant 96 : index
          %get3A_166 = tpu.vector_load %arg10[%get3A_164, %get3A_165] {strides = array<i32>} : memref<128x128xf32, #tpu.memory_space<vmem>>, vector<1x16xf32>,
          %get3A_167 = vector.shape_cast %get3A_166 : vector<1x16xf32> to vector<16xf32>
          %get3A_168 = arith.index_cast %scan3A_63 : i32 to index
          %get3A_169 = arith.constant 96 : index
          %get3A_170 = tpu.vector_load %arg11[%get3A_168, %get3A_169] {strides = array<i32>} : memref<128x128xf32, #tpu.memory_space<vmem>>, vector<1x16xf32>,
          %get3A_171 = vector.shape_cast %get3A_170 : vector<1x16xf32> to vector<16xf32>
          %add3A_172 = arith.addf %get3A_167, %get3A_171 : vector<16xf32>
          %max3A_173 = arith.constant 0.000000e+00 : f32
          %max3A_174 = vector.broadcast %max3A_173 : f32 to vector<16xf32>
          %max3A_175 = arith.maximumf %add3A_172, %max3A_174 : vector<16xf32>
          %swap3A_176 = arith.index_cast %scan3A_63 : i32 to index
          %swap3A_177 = arith.constant 96 : index
          %swap3A_178 = tpu.vector_load %arg11[%swap3A_176, %swap3A_177] {strides = array<i32>} : memref<128x128xf32, #tpu.memory_space<vmem>>, vector<1x16xf32>,
          %swap3A_179 = vector.shape_cast %swap3A_178 : vector<1x16xf32> to vector<16xf32>
          %swap3A_180 = vector.shape_cast %max3A_175 : vector<16xf32> to vector<1x16xf32>
          tpu.vector_store %arg11[%swap3A_176, %swap3A_177], %swap3A_180 {strides = array<i32>} : memref<128x128xf32, #tpu.memory_space<vmem>>, vector<1x16xf32>,
          %get3A_181 = arith.index_cast %scan3A_63 : i32 to index
          %get3A_182 = arith.constant 112 : index
          %get3A_183 = tpu.vector_load %arg10[%get3A_181, %get3A_182] {strides = array<i32>} : memref<128x128xf32, #tpu.memory_space<vmem>>, vector<1x16xf32>,
          %get3A_184 = vector.shape_cast %get3A_183 : vector<1x16xf32> to vector<16xf32>
          %get3A_185 = arith.index_cast %scan3A_63 : i32 to index
          %get3A_186 = arith.constant 112 : index
          %get3A_187 = tpu.vector_load %arg11[%get3A_185, %get3A_186] {strides = array<i32>} : memref<128x128xf32, #tpu.memory_space<vmem>>, vector<1x16xf32>,
          %get3A_188 = vector.shape_cast %get3A_187 : vector<1x16xf32> to vector<16xf32>
          %add3A_189 = arith.addf %get3A_184, %get3A_188 : vector<16xf32>
          %max3A_190 = arith.constant 0.000000e+00 : f32
          %max3A_191 = vector.broadcast %max3A_190 : f32 to vector<16xf32>
          %max3A_192 = arith.maximumf %add3A_189, %max3A_191 : vector<16xf32>
          %swap3A_193 = arith.index_cast %scan3A_63 : i32 to index
          %swap3A_194 = arith.constant 112 : index
          %swap3A_195 = tpu.vector_load %arg11[%swap3A_193, %swap3A_194] {strides = array<i32>} : memref<128x128xf32, #tpu.memory_space<vmem>>, vector<1x16xf32>,
          %swap3A_196 = vector.shape_cast %swap3A_195 : vector<1x16xf32> to vector<16xf32>
          %swap3A_197 = vector.shape_cast %max3A_192 : vector<16xf32> to vector<1x16xf32>
          tpu.vector_store %arg11[%swap3A_193, %swap3A_194], %swap3A_197 {strides = array<i32>} : memref<128x128xf32, #tpu.memory_space<vmem>>, vector<1x16xf32>,
          %scan3A_198 = arith.constant 0 : i32
          scf.yield %scan3A_198 : i32
        }
        %scan3A_62 = arith.constant 128 : i32
        %run_scoped3A = arith.constant 0 : i32
        "tpu.region"() ({
          %run_scoped3A_63 = tpu.sem_alloc : memref<!tpu.dma_semaphore, #tpu.memory_space<semaphore_mem>>
          %dma_start3A_64 = arith.constant 0 : i32
          %dma_start3A_65 = arith.constant 0 : i32
          %dma_start3A_66 = tpu.memref_slice %arg11[%dma_start3A_64, %dma_start3A_65] : memref<128x128xf32, #tpu.memory_space<vmem>> -> memref<128x128xf32, #tpu.memory_space<vmem>>
          %dma_start3A_67 = arith.constant 0 : i32
          %dma_start3A_68 = tpu.memref_slice %arg9[%run_scoped3A, %dma_start3A_67] : memref<1x128xi32, #tpu.memory_space<vmem>> -> memref<1x128xi32, #tpu.memory_space<vmem>>
          %dma_start3A_69 = tpu.memref_squeeze %dma_start3A_68 : memref<1x128xi32, #tpu.memory_space<vmem>> -> memref<128xi32, #tpu.memory_space<vmem>>
          %dma_start3A_70 = arith.constant 0 : i32
          %dma_start3A_71 = arith.constant 0 : i32
          %dma_start3A_72 = tpu.memref_slice %arg12[%dma_start3A_70, %dma_start3A_71] : memref<10000x128xf32, #tpu.memory_space<vmem_shared>> -> memref<10000x128xf32, #tpu.memory_space<vmem_shared>>
          tpu.enqueue_indirect_dma source(%dma_start3A_66 : memref<128x128xf32, #tpu.memory_space<vmem>>) target(%dma_start3A_72 : memref<10000x128xf32, #tpu.memory_space<vmem_shared>>) offsets(%dma_start3A_69 : memref<128xi32, #tpu.memory_space<vmem>>) semaphore(%run_scoped3A_63 : memref<!tpu.dma_semaphore, #tpu.memory_space<semaphore_mem>>) {add = true}
          %dma_wait3A_73 = arith.constant 0 : i32
          %dma_wait3A_74 = arith.constant 0 : i32
          %dma_wait3A_75 = tpu.memref_slice %arg11[%dma_wait3A_73, %dma_wait3A_74] : memref<128x128xf32, #tpu.memory_space<vmem>> -> memref<128x128xf32, #tpu.memory_space<vmem>>
          %dma_wait3A_76 = arith.constant 0 : i32
          %dma_wait3A_77 = tpu.memref_slice %arg9[%run_scoped3A, %dma_wait3A_76] : memref<1x128xi32, #tpu.memory_space<vmem>> -> memref<1x128xi32, #tpu.memory_space<vmem>>
          %dma_wait3A_78 = tpu.memref_squeeze %dma_wait3A_77 : memref<1x128xi32, #tpu.memory_space<vmem>> -> memref<128xi32, #tpu.memory_space<vmem>>
          %dma_wait3A_79 = arith.constant 0 : i32
          %dma_wait3A_80 = arith.constant 0 : i32
          %dma_wait3A_81 = tpu.memref_slice %arg12[%dma_wait3A_79, %dma_wait3A_80] : memref<10000x128xf32, #tpu.memory_space<vmem_shared>> -> memref<10000x128xf32, #tpu.memory_space<vmem_shared>>
          tpu.wait_indirect_dma semaphore(%run_scoped3A_63 : memref<!tpu.dma_semaphore, #tpu.memory_space<semaphore_mem>>) src(%dma_wait3A_75 : memref<128x128xf32, #tpu.memory_space<vmem>>) dst(%dma_wait3A_81 : memref<10000x128xf32, #tpu.memory_space<vmem_shared>>)
          tpu.yield
        }) : () -> ()
      } else {
      }
    }
    %scan3A_11 = arith.constant 79 : i32
    %barrier3A_12 = arith.constant 0 : index
    tpu.barrier barrier_id(%barrier3A_12)
    %lt3A_13 = arith.constant 15 : i32
    %lt3A_14 = arith.cmpi slt, %arg1, %lt3A_13 : i32
    %convert_element_type3A_15 = arith.extui %lt3A_14 : i1 to i32
    %cond3A_16 = arith.constant 0 : i32
    %cond3A_17 = arith.cmpi ne, %convert_element_type3A_15, %cond3A_16 : i32
    scf.if %cond3A_17 {
      %mul3A_23 = arith.constant 624 : i32
      %mul3A_24 = arith.muli %arg1, %mul3A_23 : i32
      %mul3A_25 = arith.constant 624 : i32
      %mul3A_26 = arith.muli %arg1, %mul3A_25 : i32
      "tpu.region"() ({
        %run_scoped3A = tpu.sem_alloc : memref<!tpu.dma_semaphore, #tpu.memory_space<semaphore_mem>>
        %dma_start3A = arith.constant 0 : i32
        %dma_start3A_27 = tpu.memref_slice %arg7[%arg0, %mul3A_26, %dma_start3A] : memref<2x10000x128xf32, #tpu.memory_space<hbm>> -> memref<1x624x128xf32, #tpu.memory_space<hbm>>
        %dma_start3A_28 = tpu.memref_squeeze %dma_start3A_27 : memref<1x624x128xf32, #tpu.memory_space<hbm>> -> memref<624x128xf32, #tpu.memory_space<hbm>>
        %dma_start3A_29 = arith.constant 0 : i32
        %dma_start3A_30 = tpu.memref_slice %arg12[%mul3A_24, %dma_start3A_29] : memref<10000x128xf32, #tpu.memory_space<vmem_shared>> -> memref<624x128xf32, #tpu.memory_space<vmem_shared>>
        tpu.enqueue_dma source(%dma_start3A_30 : memref<624x128xf32, #tpu.memory_space<vmem_shared>>) target(%dma_start3A_28 : memref<624x128xf32, #tpu.memory_space<hbm>>) target_semaphore(%run_scoped3A : memref<!tpu.dma_semaphore, #tpu.memory_space<semaphore_mem>>)
        %dma_wait3A = arith.constant 0 : i32
        %dma_wait3A_31 = tpu.memref_slice %arg7[%arg0, %mul3A_26, %dma_wait3A] : memref<2x10000x128xf32, #tpu.memory_space<hbm>> -> memref<1x624x128xf32, #tpu.memory_space<hbm>>
        %dma_wait3A_32 = tpu.memref_squeeze %dma_wait3A_31 : memref<1x624x128xf32, #tpu.memory_space<hbm>> -> memref<624x128xf32, #tpu.memory_space<hbm>>
        %dma_wait3A_33 = arith.constant 0 : i32
        %dma_wait3A_34 = tpu.memref_slice %arg12[%mul3A_24, %dma_wait3A_33] : memref<10000x128xf32, #tpu.memory_space<vmem_shared>> -> memref<624x128xf32, #tpu.memory_space<vmem_shared>>
        tpu.wait_dma2 semaphore(%run_scoped3A : memref<!tpu.dma_semaphore, #tpu.memory_space<semaphore_mem>>) src(%dma_wait3A_34 : memref<624x128xf32, #tpu.memory_space<vmem_shared>>) dst(%dma_wait3A_32 : memref<624x128xf32, #tpu.memory_space<hbm>>)
        tpu.yield
      }) : () -> ()
    } else {
    }
    %eq3A_18 = arith.constant 15 : i32
    %eq3A_19 = arith.cmpi eq, %arg1, %eq3A_18 : i32
    %convert_element_type3A_20 = arith.extui %eq3A_19 : i1 to i32
    %cond3A_21 = arith.constant 0 : i32
    %cond3A_22 = arith.cmpi ne, %convert_element_type3A_20, %cond3A_21 : i32
    scf.if %cond3A_22 {
      "tpu.region"() ({
        %run_scoped3A = tpu.sem_alloc : memref<!tpu.dma_semaphore, #tpu.memory_space<semaphore_mem>>
        %dma_start3A = arith.constant 9360 : i32
        %dma_start3A_23 = arith.constant 0 : i32
        %dma_start3A_24 = tpu.memref_slice %arg7[%arg0, %dma_start3A, %dma_start3A_23] : memref<2x10000x128xf32, #tpu.memory_space<hbm>> -> memref<1x640x128xf32, #tpu.memory_space<hbm>>
        %dma_start3A_25 = tpu.memref_squeeze %dma_start3A_24 : memref<1x640x128xf32, #tpu.memory_space<hbm>> -> memref<640x128xf32, #tpu.memory_space<hbm>>
        %dma_start3A_26 = arith.constant 9360 : i32
        %dma_start3A_27 = arith.constant 0 : i32
        %dma_start3A_28 = tpu.memref_slice %arg12[%dma_start3A_26, %dma_start3A_27] : memref<10000x128xf32, #tpu.memory_space<vmem_shared>> -> memref<640x128xf32, #tpu.memory_space<vmem_shared>>
        tpu.enqueue_dma source(%dma_start3A_28 : memref<640x128xf32, #tpu.memory_space<vmem_shared>>) target(%dma_start3A_25 : memref<640x128xf32, #tpu.memory_space<hbm>>) target_semaphore(%run_scoped3A : memref<!tpu.dma_semaphore, #tpu.memory_space<semaphore_mem>>)
        %dma_wait3A = arith.constant 9360 : i32
        %dma_wait3A_29 = arith.constant 0 : i32
        %dma_wait3A_30 = tpu.memref_slice %arg7[%arg0, %dma_wait3A, %dma_wait3A_29] : memref<2x10000x128xf32, #tpu.memory_space<hbm>> -> memref<1x640x128xf32, #tpu.memory_space<hbm>>
        %dma_wait3A_31 = tpu.memref_squeeze %dma_wait3A_30 : memref<1x640x128xf32, #tpu.memory_space<hbm>> -> memref<640x128xf32, #tpu.memory_space<hbm>>
        %dma_wait3A_32 = arith.constant 9360 : i32
        %dma_wait3A_33 = arith.constant 0 : i32
        %dma_wait3A_34 = tpu.memref_slice %arg12[%dma_wait3A_32, %dma_wait3A_33] : memref<10000x128xf32, #tpu.memory_space<vmem_shared>> -> memref<640x128xf32, #tpu.memory_space<vmem_shared>>
        tpu.wait_dma2 semaphore(%run_scoped3A : memref<!tpu.dma_semaphore, #tpu.memory_space<semaphore_mem>>) src(%dma_wait3A_34 : memref<640x128xf32, #tpu.memory_space<vmem_shared>>) dst(%dma_wait3A_31 : memref<640x128xf32, #tpu.memory_space<hbm>>)
        tpu.yield
      }) : () -> ()
    } else {
    }
    return
  }
}

module attributes {stable_mosaic.version = 14 : i64} {
  func.func @body(%arg0: i32, %arg1: memref<2000x16xf32, #tpu.memory_space<vmem>>, %arg2: memref<128x16xf32, #tpu.memory_space<vmem>>, %arg3: memref<1x128xf32, #tpu.memory_space<vmem>>, %arg4: memref<2000x128xf32, #tpu.memory_space<vmem>>) attributes {dimension_semantics = [#tpu.dimension_semantics<arbitrary>], iteration_bounds = array<i64: 160>, scalar_prefetch = 0 : i64, scratch_operands = 0 : i64, tpu.core_type = #tpu.core_type<tc>, window_params = [{transform_indices = @transform_0, window_bounds = array<i64: 2000, 16>}, {pipeline_mode = #tpu.pipeline_mode<synchronous>, transform_indices = @transform_1, window_bounds = array<i64: 128, 16>}, {pipeline_mode = #tpu.pipeline_mode<synchronous>, transform_indices = @transform_2, window_bounds = array<i64: 1, 128>}, {transform_indices = @transform_3, window_bounds = array<i64: 2000, 128>}]} {
    %get3A = arith.constant 0 : index
    %get3A_0 = arith.constant 0 : index
    %get3A_1 = vector.load %arg1[%get3A, %get3A_0] : memref<2000x16xf32, #tpu.memory_space<vmem>>, vector<2000x16xf32>
    %get3A_2 = arith.constant 0 : index
    %get3A_3 = arith.constant 0 : index
    %get3A_4 = vector.load %arg2[%get3A_2, %get3A_3] : memref<128x16xf32, #tpu.memory_space<vmem>>, vector<128x16xf32>
    %dot_general3A = arith.constant dense<0.000000e+00> : vector<2000x128xf32>
    %dot_general3A_5 = tpu.matmul %get3A_1, %get3A_4, %dot_general3A {dimension_numbers = #tpu.dot_dimension_numbers<[1], [1], [0], [0], [0, 0, 1, 0], [], []>, transpose_lhs_hint = false} : vector<2000x16xf32>, vector<128x16xf32>, vector<2000x128xf32> -> vector<2000x128xf32>
    %get3A_6 = arith.constant 0 : index
    %get3A_7 = arith.constant 0 : index
    %get3A_8 = vector.load %arg3[%get3A_6, %get3A_7] : memref<1x128xf32, #tpu.memory_space<vmem>>, vector<1x128xf32>
    %add3A = vector.broadcast %get3A_8 : vector<1x128xf32> to vector<2000x128xf32>
    %add3A_9 = arith.addf %dot_general3A_5, %add3A : vector<2000x128xf32>
    %swap3A = arith.constant 0 : index
    %swap3A_10 = arith.constant 0 : index
    %swap3A_11 = vector.load %arg4[%swap3A, %swap3A_10] : memref<2000x128xf32, #tpu.memory_space<vmem>>, vector<2000x128xf32>
    tpu.vector_store %arg4[%swap3A, %swap3A_10], %add3A_9 {strides = array<i32>} : memref<2000x128xf32, #tpu.memory_space<vmem>>, vector<2000x128xf32>,
    return
  }
  func.func @transform_0(%arg0: i32) -> (i32, i32) {
    %c0_i32 = arith.constant 0 : i32
    %c0_i32_0 = arith.constant 0 : i32
    return %arg0, %c0_i32 : i32, i32
  }
  func.func @transform_1(%arg0: i32) -> (i32, i32) {
    %c0_i32 = arith.constant 0 : i32
    %c0_i32_0 = arith.constant 0 : i32
    %c0_i32_1 = arith.constant 0 : i32
    return %c0_i32, %c0_i32_0 : i32, i32
  }
  func.func @transform_2(%arg0: i32) -> (i32, i32) {
    %c0_i32 = arith.constant 0 : i32
    %c0_i32_0 = arith.constant 0 : i32
    %c0_i32_1 = arith.constant 0 : i32
    return %c0_i32, %c0_i32_0 : i32, i32
  }
  func.func @transform_3(%arg0: i32) -> (i32, i32) {
    %c0_i32 = arith.constant 0 : i32
    %c0_i32_0 = arith.constant 0 : i32
    return %arg0, %c0_i32 : i32, i32
  }
}

module attributes {stable_mosaic.version = 14 : i64} {
  func.func @body(%arg0: memref<10000x128xf32, #tpu.memory_space<vmem>>, %arg1: memref<2x10000x128xf32, #tpu.memory_space<vmem>>, %arg2: memref<128x128xf32, #tpu.memory_space<vmem>>, %arg3: memref<1x128xf32, #tpu.memory_space<vmem>>, %arg4: memref<1x128xf32, #tpu.memory_space<vmem>>, %arg5: memref<1x128xf32, #tpu.memory_space<vmem>>, %arg6: memref<128x128xf32, #tpu.memory_space<vmem>>, %arg7: memref<1x128xf32, #tpu.memory_space<vmem>>, %arg8: memref<10000x128xf32, #tpu.memory_space<vmem>>) attributes {dimension_semantics = [], scalar_prefetch = 0 : i64, scratch_operands = 0 : i64, tpu.core_type = #tpu.core_type<tc>} {
    %get3A = arith.constant 0 : index
    %get3A_0 = arith.constant 0 : index
    %get3A_1 = vector.load %arg0[%get3A, %get3A_0] : memref<10000x128xf32, #tpu.memory_space<vmem>>, vector<10000x128xf32>
    %get3A_2 = arith.constant 0 : index
    %get3A_3 = arith.constant 0 : index
    %get3A_4 = arith.constant 0 : index
    %get3A_5 = vector.load %arg1[%get3A_2, %get3A_3, %get3A_4] : memref<2x10000x128xf32, #tpu.memory_space<vmem>>, vector<1x10000x128xf32>
    %get3A_6 = vector.shape_cast %get3A_5 : vector<1x10000x128xf32> to vector<10000x128xf32>
    %add3A = arith.addf %get3A_1, %get3A_6 : vector<10000x128xf32>
    %get3A_7 = arith.constant 1 : index
    %get3A_8 = arith.constant 0 : index
    %get3A_9 = arith.constant 0 : index
    %get3A_10 = vector.load %arg1[%get3A_7, %get3A_8, %get3A_9] : memref<2x10000x128xf32, #tpu.memory_space<vmem>>, vector<1x10000x128xf32>
    %get3A_11 = vector.shape_cast %get3A_10 : vector<1x10000x128xf32> to vector<10000x128xf32>
    %add3A_12 = arith.addf %add3A, %get3A_11 : vector<10000x128xf32>
    %get3A_13 = arith.constant 0 : index
    %get3A_14 = arith.constant 0 : index
    %get3A_15 = vector.load %arg2[%get3A_13, %get3A_14] : memref<128x128xf32, #tpu.memory_space<vmem>>, vector<128x128xf32>
    %dot_general3A = arith.constant dense<0.000000e+00> : vector<10000x128xf32>
    %dot_general3A_16 = tpu.matmul %add3A_12, %get3A_15, %dot_general3A {dimension_numbers = #tpu.dot_dimension_numbers<[1], [1], [0], [0], [0, 0, 1, 0], [], []>, transpose_lhs_hint = false} : vector<10000x128xf32>, vector<128x128xf32>, vector<10000x128xf32> -> vector<10000x128xf32>
    %get3A_17 = arith.constant 0 : index
    %get3A_18 = arith.constant 0 : index
    %get3A_19 = vector.load %arg3[%get3A_17, %get3A_18] : memref<1x128xf32, #tpu.memory_space<vmem>>, vector<1x128xf32>
    %add3A_20 = vector.broadcast %get3A_19 : vector<1x128xf32> to vector<10000x128xf32>
    %add3A_21 = arith.addf %dot_general3A_16, %add3A_20 : vector<10000x128xf32>
    %reduce_sum3A = arith.constant dense<0.000000e+00> : vector<128xf32>
    %reduce_sum3A_22 = vector.multi_reduction <add>, %add3A_21, %reduce_sum3A [0] : vector<10000x128xf32> to vector<128xf32>
    %broadcast_in_dim3A = vector.shape_cast %reduce_sum3A_22 : vector<128xf32> to vector<1x128xf32>
    %div3A = arith.constant 1.000000e+04 : f32
    %div3A_23 = vector.broadcast %div3A : f32 to vector<1x128xf32>
    %div3A_24 = arith.divf %broadcast_in_dim3A, %div3A_23 : vector<1x128xf32>
    %sub3A = vector.broadcast %div3A_24 : vector<1x128xf32> to vector<10000x128xf32>
    %sub3A_25 = arith.subf %add3A_21, %sub3A : vector<10000x128xf32>
    %integer_pow3A = arith.mulf %sub3A_25, %sub3A_25 : vector<10000x128xf32>
    %reduce_sum3A_26 = arith.constant dense<0.000000e+00> : vector<128xf32>
    %reduce_sum3A_27 = vector.multi_reduction <add>, %integer_pow3A, %reduce_sum3A_26 [0] : vector<10000x128xf32> to vector<128xf32>
    %broadcast_in_dim3A_28 = vector.shape_cast %reduce_sum3A_27 : vector<128xf32> to vector<1x128xf32>
    %div3A_29 = arith.constant 1.000000e+04 : f32
    %div3A_30 = vector.broadcast %div3A_29 : f32 to vector<1x128xf32>
    %div3A_31 = arith.divf %broadcast_in_dim3A_28, %div3A_30 : vector<1x128xf32>
    %sub3A_32 = vector.broadcast %div3A_24 : vector<1x128xf32> to vector<10000x128xf32>
    %sub3A_33 = arith.subf %add3A_21, %sub3A_32 : vector<10000x128xf32>
    %add3A_34 = arith.constant 9.99999974E-6 : f32
    %add3A_35 = vector.broadcast %add3A_34 : f32 to vector<1x128xf32>
    %add3A_36 = arith.addf %div3A_31, %add3A_35 : vector<1x128xf32>
    %sqrt3A = math.sqrt %add3A_36 : vector<1x128xf32>
    %div3A_37 = vector.broadcast %sqrt3A : vector<1x128xf32> to vector<10000x128xf32>
    %div3A_38 = arith.divf %sub3A_33, %div3A_37 : vector<10000x128xf32>
    %get3A_39 = arith.constant 0 : index
    %get3A_40 = arith.constant 0 : index
    %get3A_41 = vector.load %arg4[%get3A_39, %get3A_40] : memref<1x128xf32, #tpu.memory_space<vmem>>, vector<1x128xf32>
    %mul3A = vector.broadcast %get3A_41 : vector<1x128xf32> to vector<10000x128xf32>
    %mul3A_42 = arith.mulf %div3A_38, %mul3A : vector<10000x128xf32>
    %get3A_43 = arith.constant 0 : index
    %get3A_44 = arith.constant 0 : index
    %get3A_45 = vector.load %arg5[%get3A_43, %get3A_44] : memref<1x128xf32, #tpu.memory_space<vmem>>, vector<1x128xf32>
    %add3A_46 = vector.broadcast %get3A_45 : vector<1x128xf32> to vector<10000x128xf32>
    %add3A_47 = arith.addf %mul3A_42, %add3A_46 : vector<10000x128xf32>
    %max3A = arith.constant 0.000000e+00 : f32
    %max3A_48 = vector.broadcast %max3A : f32 to vector<10000x128xf32>
    %max3A_49 = arith.maximumf %add3A_47, %max3A_48 : vector<10000x128xf32>
    %get3A_50 = arith.constant 0 : index
    %get3A_51 = arith.constant 0 : index
    %get3A_52 = vector.load %arg6[%get3A_50, %get3A_51] : memref<128x128xf32, #tpu.memory_space<vmem>>, vector<128x128xf32>
    %dot_general3A_53 = arith.constant dense<0.000000e+00> : vector<10000x128xf32>
    %dot_general3A_54 = tpu.matmul %max3A_49, %get3A_52, %dot_general3A_53 {dimension_numbers = #tpu.dot_dimension_numbers<[1], [1], [0], [0], [0, 0, 1, 0], [], []>, transpose_lhs_hint = false} : vector<10000x128xf32>, vector<128x128xf32>, vector<10000x128xf32> -> vector<10000x128xf32>
    %get3A_55 = arith.constant 0 : index
    %get3A_56 = arith.constant 0 : index
    %get3A_57 = vector.load %arg7[%get3A_55, %get3A_56] : memref<1x128xf32, #tpu.memory_space<vmem>>, vector<1x128xf32>
    %add3A_58 = vector.broadcast %get3A_57 : vector<1x128xf32> to vector<10000x128xf32>
    %add3A_59 = arith.addf %dot_general3A_54, %add3A_58 : vector<10000x128xf32>
    %swap3A = arith.constant 0 : index
    %swap3A_60 = arith.constant 0 : index
    %swap3A_61 = vector.load %arg8[%swap3A, %swap3A_60] : memref<10000x128xf32, #tpu.memory_space<vmem>>, vector<10000x128xf32>
    tpu.vector_store %arg8[%swap3A, %swap3A_60], %add3A_59 {strides = array<i32>} : memref<10000x128xf32, #tpu.memory_space<vmem>>, vector<10000x128xf32>,
    return
  }
}

</mosaic_0001>

<sc_bundles>
// kernel: kernel.5.cloned.1.call-start
scs
__scs_entry_jumppad:
0x0: {  	(pc) =	sbr.rel $0x88, $3  }
0x1: {  	(tag) =	ssettag $0x0;
	lr =	simm.s32 $0x1  }
0x2: {  	[smem:$0x3F96] =	sst lr;
	_ =	strace $0xD0000000  }
0x3: {  	_ = 	snop  }
0x4: {  	_ = 	snop  }
0x5: {  	_ = 	snop  }
0x6: {  	_ = 	snop  }
0x7: {  	_ = 	snop  }
__scs_overlays_trampoline_lowered:
0x8: {  	[smem:$0x3FA5] =	sst s0  }
0x9: {  	[smem:$0x3FA6] =	sst s1  }
0xa: {  	[smem:$0x3FA7] =	sst s2  }
0xb: {  	[smem:$0x3FA8] =	sst s3  }
0xc: {  	[smem:$0x3FA9] =	sst s4  }
0xd: {  	[smem:$0x3FAA] =	sst s5  }
0xe: {  	[smem:$0x3FAB] =	sst s6  }
0xf: {  	[smem:$0x3FAC] =	sst s7  }
0x10: {  	[smem:$0x3FAD] =	sst s8  }
0x11: {  	[smem:$0x3FAE] =	sst s9;
	s0 =	simm.s32 @!p0 $0x0  }
0x12: {  	s1 =	sld [smem:$0x3F94];
	s0 =	simm.s32 @p0 $0x1  }
0x13: {  	[smem:$0x3FAF] =	sst s0;
	s0 =	simm.s32 @!p1 $0x0  }
0x14: {  	s2 =	sld [smem:$0x3F93];
	s0 =	simm.s32 @p1 $0x1  }
0x15: {  	[smem:$0x3FB0] =	sst s0;
	s0 =	simm.s32 @!p2 $0x0  }
0x16: {  	s3 =	sld [smem:$0x3FDB];
	s0 =	simm.s32 @p2 $0x1  }
0x17: {  	s4 =	simm.s32 $0x1BF5;
	[smem:$0x3FB2] =	sst s0  }
0x18: {  	s0 =	sld [smem:$0x3F95];
	_ =	swait.ge [sflag:s4], $0x0  }
0x19: {  	s7 =	sld [smem:$0x3F96]  }
0x1a: {  	s8 =	sadd.s32 $0xFFFFE003, lr  }
0x1b: {  	s9 =	sadd.s32 $0xFFFFFEF7, lr;
	s5 =	simm.s32 $0xFFFFFFFF;
	p2 =	slt.u32 s8, $0xFFFFF086  }
0x1c: {  	p1 =	slt.u32 s9, $0xF7A;
	s5 =	simm.s32 @!p2 $0x0  }
0x1d: {  	s5 =	simm.s32 @p1 $0x1;
	p0 =	seq.s32 s7, s2  }
0x1e: {  	s7 =	smul.u32 @!p0 $0xF7A, s2;
	p2 =	seq.s32 @!p0 s5, $0x0  }
0x1f: {  	s9 =	smul.u32 $0xF7A, s1;
	s8 =	simm.s32 @!p0 $0x1BF5;
	p2 =	por !p2, p0  }
0x20: {  	[sflag:s8] =	ssyncset.s32 @!p0 $0xFFFFF086;
	s6 =	sadd.s32 @!p0 s3, s7;
	s7 =	simm.s32 @!p0 $0x108  }
0x21: {  	s3 =	sadd.s32 s3, s9;
	s6 =	sadd.s32 @!p0 $0x88, s6;
	s7 =	simm.s32 @p2 $0x1082  }
0x22: {  	[simem:s7], [sflag:s8] =	dma.local @!p0 [hbm:s6], $0xF7A  }
0x23: {  	s9 =	sor.u32 $0xD0000000, s2;
	s6 =	simm.s32 $0x108;
	_ =	swait.ge @!p0 [sflag:s8], $0x0  }
0x24: {  	s3 =	sadd.s32 $0x88, s3;
	s6 =	simm.s32 @!p1 $0x1082;
	[sflag:s4] =	ssyncset.s32 $0xFFFFF086  }
0x25: {  	[simem:s6], [sflag:s4] =	dma.local [hbm:s3], $0xF7A  }
0x26: {  	[smem:$0x3F96] =	sst s1;
	(tag) =	ssettag s2;
	_ =	strace s9  }
0x27: {  	s1 =	sld [smem:$0x3FA6]  }
0x28: {  	s2 =	sld [smem:$0x3FA7]  }
0x29: {  	s4 =	sld [smem:$0x3FA9]  }
0x2a: {  	p0 =	seq.s32 s5, $0x0;
	s5 =	sld [smem:$0x3FAA]  }
0x2b: {  	s6 =	sld [smem:$0x3FAB]  }
0x2c: {  	s7 =	sld [smem:$0x3FAC]  }
0x2d: {  	s3 =	simm.s32 $0x108;
	s8 =	sld [smem:$0x3FAD]  }
0x2e: {  	s3 =	simm.s32 @!p0 $0x1082;
	s9 =	sld [smem:$0x3FAE]  }
0x2f: {  	lr =	sadd.s32 s0, s3;
	s0 =	sld [smem:$0x3FA5]  }
0x30: {  	s3 =	sld [smem:$0x3FA8]  }
0x31: {  	[smem:$0x3FB1] =	sst s10  }
0x32: {  	s10 =	sld [smem:$0x3FAF];
	_ =	sdelay $0x3  }
0x33: {  	p0 =	seq.s32 s10, $0x1;
	s10 =	sld [smem:$0x3FB1];
	_ =	sdelay $0x3  }
0x34: {  	[smem:$0x3FB1] =	sst s10  }
0x35: {  	s10 =	sld [smem:$0x3FB0];
	_ =	sdelay $0x3  }
0x36: {  	p1 =	seq.s32 s10, $0x1;
	s10 =	sld [smem:$0x3FB1];
	_ =	sdelay $0x3  }
0x37: {  	[smem:$0x3FB1] =	sst s10  }
0x38: {  	s10 =	sld [smem:$0x3FB2]  }
0x39: {  	_ = 	snop;
	(pc) =	sbr.ind lr, $3  }
0x3a: {  	_ = 	snop  }
0x3b: {  	_ = 	snop  }
0x3c: {  	p2 =	seq.s32 s10, $0x1;
	s10 =	sld [smem:$0x3FB1]  }
0x3d: {  	_ =	shalt  }
0x3e: {  	_ =	shalt  }
0x3f: {  	_ =	shalt  }
0x40: {  	_ =	shalt  }
0x41: {  	_ =	shalt  }
0x42: {  	_ =	shalt  }
0x43: {  	_ =	shalt  }
0x44: {  	_ =	shalt  }
0x45: {  	_ =	shalt  }
0x46: {  	_ =	shalt  }
0x47: {  	_ =	shalt  }
0x48: {  	_ =	shalt  }
0x49: {  	_ =	shalt  }
0x4a: {  	_ =	shalt  }
0x4b: {  	_ =	shalt  }
0x4c: {  	_ =	shalt  }
0x4d: {  	_ =	shalt  }
0x4e: {  	_ =	shalt  }
0x4f: {  	_ =	shalt  }
0x50: {  	_ =	shalt  }
0x51: {  	_ =	shalt  }
0x52: {  	_ =	shalt  }
0x53: {  	_ =	shalt  }
0x54: {  	_ =	shalt  }
0x55: {  	_ =	shalt  }
0x56: {  	_ =	shalt  }
0x57: {  	_ =	shalt  }
0x58: {  	_ =	shalt  }
0x59: {  	_ =	shalt  }
0x5a: {  	_ =	shalt  }
0x5b: {  	_ =	shalt  }
0x5c: {  	_ =	shalt  }
0x5d: {  	_ =	shalt  }
0x5e: {  	_ =	shalt  }
0x5f: {  	_ =	shalt  }
0x60: {  	_ =	shalt  }
0x61: {  	_ =	shalt  }
0x62: {  	_ =	shalt  }
0x63: {  	_ =	shalt  }
0x64: {  	_ =	shalt  }
0x65: {  	_ =	shalt  }
0x66: {  	_ =	shalt  }
0x67: {  	_ =	shalt  }
0x68: {  	_ =	shalt  }
0x69: {  	_ =	shalt  }
0x6a: {  	_ =	shalt  }
0x6b: {  	_ =	shalt  }
0x6c: {  	_ =	shalt  }
0x6d: {  	_ =	shalt  }
0x6e: {  	_ =	shalt  }
0x6f: {  	_ =	shalt  }
0x70: {  	_ =	shalt  }
0x71: {  	_ =	shalt  }
0x72: {  	_ =	shalt  }
0x73: {  	_ =	shalt  }
0x74: {  	_ =	shalt  }
0x75: {  	_ =	shalt  }
0x76: {  	_ =	shalt  }
0x77: {  	_ =	shalt  }
0x78: {  	_ =	shalt  }
0x79: {  	_ =	shalt  }
0x7a: {  	_ =	shalt  }
0x7b: {  	_ =	shalt  }
0x7c: {  	_ =	shalt  }
0x7d: {  	_ =	shalt  }
0x7e: {  	_ =	shalt  }
0x7f: {  	_ =	shalt  }
0x80: {  	_ =	shalt  }
0x81: {  	_ =	shalt  }
0x82: {  	_ =	shalt  }
0x83: {  	_ =	shalt  }
0x84: {  	_ =	shalt  }
0x85: {  	_ =	shalt  }
0x86: {  	_ =	shalt  }
0x87: {  	_ =	shalt  }
.Lfunc_end0:
.L_simem_size_0:
called_computation_lowered:
.L_overlay_start_0:
0x88: {  	s2 =	sld [smem:$0x3FD9]  }
0x89: {  	s3 =	sld [smem:$0x3FFE];
	_ =	sdelay $0x1  }
0x8a: {  	s1 =	srdreg.scid  }
0x8b: {  	s0 =	sand.u32 $0x1, s1  }
0x8c: {  	s17 =	sshll.u32 s0, $0xA;
	s2 =	sadd.s32 s3, s2  }
0x8d: {  	s2 =	sadd.s32 s2, s17  }
0x8e: {  	[smem:$0x3FBD] =	sst s2  }
0x8f: {  	_ = 	snop  }
0x90: {  	s2 =	sld [smem:$0x3FC9]  }
0x91: {  	s18 =	sld [smem:$0x3FD0];
	(tm) =	ssettm $0x1  }
0x92: {  	s4 =	sld [smem:$0x3FFB];
	_ =	sdelay $0x3  }
0x93: {  	_ =	strace s4  }
0x94: {  	s4 =	sld [smem:$0x3FFC];
	_ =	sdelay $0x3  }
0x95: {  	_ =	strace s4  }
0x96: {  	s4 =	sld [smem:$0x3FFD];
	_ =	sdelay $0x3  }
0x97: {  	_ =	strace s4  }
0x98: {  	_ =	strace $0x8FFFFFFF  }
0x99: {  	s19 =	sld [smem:$0x3FDB];
	_ =	sdelay $0x1  }
0x9a: {  	s5 =	simm.s32 $_scs_section_size  }
0x9b: {  	s6 =	simm.s32 $_size__tile_overlayer_lowered;
	s7 =	simm.s32 $_tile_overlayer_lowered  }
0x9c: {  	s22 =	simm.s32 $0x1BFF;
	s21 =	sshll.u32 s7, $0x1;
	s4 =	sadd.s32 s5, s19  }
0x9d: {  	s8 =	simm.s32 $0x0;
	s20 =	sshll.u32 s6, $0x1;
	s6 =	sadd.s32 s21, s4  }
0x9e: {  	[timem:s8], [sflag:s22] =	dma.local [hbm:s6], s20  }
0x9f: {  	_ =	swait.ge [sflag:s22], s20  }
0xa0: {  	s5 =	ssub.s32 $0x0, s20;
	[sflag:s22] =	ssyncset.done $0x0  }
0xa1: {  	[sflag:s22] =	ssyncadd.s32 s5;
	_ =	sdelay $0x1  }
0xa2: {  	s23 =	simm.s32 $0x1B8B  }
0xa3: {  	_ =	swait.ge [sflag:s23], $0x1  }
0xa4: {  	[sflag:s23] =	ssyncset.done $0x0  }
0xa5: {  	s25 =	simm.s32 $0x1B8E;
	s24 =	sld [smem:$0x3FFE];
	[sflag:s23] =	ssyncadd.s32 $0xFFFFFFFF  }
0xa6: {  	s26 =	simm.s32 $execute0_lowered;
	[smem:$0x3FD2] =	sst s25  }
0xa7: {  	s6 =	sshll.u32 s26, $0x1;
	_ =	strace $0x80000046;
	[dreg:$0x1] =	wrdreg $0xFFFFFFFF  }
0xa8: {  	s28 =	simm.s32 $_size_execute0_lowered;
	s4 =	sadd.s32 s4, s6;
	[dreg:$0x0] =	wrdreg $0x0  }
0xa9: {  	s6 =	sshll.u32 s28, $0x1;
	[dreg:$0x2] =	wrdreg s4  }
0xaa: {  	[dreg:$0x3] =	wrdreg s6  }
0xab: {  	[dreg:$0x4] =	wrdreg $0xC0  }
0xac: {  	_ =	task [dreg:s8], $0x5FFFF  }
0xad: {  	[dreg:$0x1] =	wrdreg $0xFFFFFFFF  }
0xae: {  	[dreg:$0x0] =	wrdreg $0x60  }
0xaf: {  	[dreg:$0x2] =	wrdreg s2  }
0xb0: {  	[dreg:$0x3] =	wrdreg s24  }
0xb1: {  	[dreg:$0x4] =	wrdreg s18  }
0xb2: {  	[dreg:$0x5] =	wrdreg $0x81000  }
0xb3: {  	[dreg:$0x6] =	wrdreg $0x9  }
0xb4: {  	_ =	task.clear_ibuf [dreg:s8], $0x7FFFF;
	_ =	strace $0x90000046  }
0xb5: {  	s29 =	simm.s32 $0x9;
	_ =	strace $0x80000048  }
0xb6: {  	_ =	swait.ge [sflag:s29], $0x1  }
0xb7: {  	[sflag:s29] =	ssyncadd.s32 $0xFFFFFFFF  }
0xb8: {  	_ =	strace $0x90000048  }
0xb9: {  	_ =	sfence  }
0xba: {  	s30 =	sld [smem:$0x0];
	_ =	sdelay $0x2  }
0xbb: {  	s31 =	sshll.u32 s1, $0xD;
	s1 =	sshrl.u32 s1, $0x2  }
0xbc: {  	s3 =	sand.u32 $0x4000, s31;
	s1 =	sadd.s32 s1, s30  }
0xbd: {  	s0 =	sor.u32 s3, s0;
	s1 =	sshll.u32 s1, $0x11  }
0xbe: {  	s0 =	sor.u32 s1, s0  }
0xbf: {  	s0 =	sadd.s32 $0x8F2B, s0  }
0xc0: {  	[sflag:s0] =	ssyncadd.remote.s32 $0x1  }
0xc1: {  	_ =	sfence.sel $0xFFFF  }
0xc2: {  	[dreg:$0x0] =	wrdreg $0xFFFFFFFF;
	(pc) =	sbr.abs _section_cstart, $3  }
0xc3: {  	[dreg:$0x1] =	wrdreg $0xFFFFFFFF  }
0xc4: {  	_ =	task.clear_ibuf [dreg:s8], $0x2FFFF;
	_ =	strace $0x9FFFFFFF  }
0xc5: {  	(tm) =	ssettm $0x7FFFFFFF  }
tec
execute0_lowered:
.L_overlay_start_1:
0x0: {  	(tag) =	ssettag $0x1  }
0x1: {  	s1 =	rddreg [dreg:$0x0]  }
0x2: {  	s9 =	rddreg [dreg:$0x1]  }
0x3: {  	s2 =	rddreg [dreg:$0x2]  }
0x4: {  	s3 =	rddreg [dreg:$0x3]  }
0x5: {  	s0 =	rddreg [dreg:$0x4];
	s4 =	simm.s32 $0x0  }
0x6: {  	s8 =	srdreg.scid;
	s5 =	stileid.u32;
	s19 =	simm.s32 $0x4100  }
0x7: {  	s20 =	simm.s32 $0x100;
	s21 =	simm.s32 $0x1;
	s22 =	simm.s32 $0x2  }
0x8: {  	s28 =	simm.s32 $0x0;
	[smem:$0x7FF] =	sst s4;
	s6 =	sadd.s32 $0x4ED000, s9  }
0x9: {  	s7 =	sadd.s32 $0x4E3200, s9;
	s10 =	sand.u32 $0x1, s8;
	s8 =	sadd.s32 $0x1200, s9  }
0xa: {  	s12 =	smul.u32 $0x4E000, s5;
	s13 =	sadd.s32 $0x3A00, s9;
	s15 =	sshll.u32 s5, $0x1  }
0xb: {  	s16 =	smul.u32 $0x13800, s5;
	p0 =	seq.s32 s5, $0xF;
	_ =	strace $0x80000047  }
0xc: {  	s11 =	ssub.s32 $0x2, s10;
	s14 =	smul.u32 $0x138800, s10;
	s9 =	sor.u32 s10, s15  }
0xd: {  	s15 =	sadd.s32 $0x124800, s3;
	s29 =	sshrl.u32 s11, $0x1;
	s12 =	sshrl.u32 s12, $0x2  }
0xe: {  	s10 =	sshll.u32 s9, $0x4;
	s17 =	ssub.s32 s11, s29;
	s18 =	sadd.s32 s12, s3  }
.Ltmp0:
0xf: {  	s30 =	sadd.s32 s16, s14;
	s10 =	sand.u32 $0x70, s10;
	(pc) =	sbr.rel .LBB2_1-.Ltmp0, $4  }
0x10: {  	s31 =	sshrl.u32 s14, $0x3;
	s16 =	sshll.u32 @!p0 s5, $0x6;
	s14 =	sshrl.u32 @p0 s15, $0x3  }
0x11: {  	s11 =	sshrl.u32 s30, $0x3;
	s12 =	sadd.s32 s13, s31;
	s15 =	sor.u32 @!p0 $0x1C02, s16  }
0x12: {  	s16 =	sshrl.u32 @!p0 s18, $0x3;
	s18 =	simm.s32 $0x80;
	s11 =	sadd.s32 s13, s11  }
0x13: {  	s12 =	sadd.s32 $0x24900, s12;
	s13 =	smax.u32 s17, $0x1;
	s17 =	simm.s32 $0x3  }
.LBB2_7:
0x14: {  	[bflag:$0x0] =	sbarrier.arrive $0xFFFF;
	s23 =	simm.s32 @p0 $0x1FC2  }
0x15: {  	[hbm:s12], [sflag:s23] =	dma.local @p0 [spmem:s14], $0x2800  }
0x16: {  	s23 =	simm.s32 @p0 $0x2  }
0x17: {  	s4 =	sadd.s32 $0x1, s4;
	_ =	swait.ge @p0 [sflag:s23], $0x2800  }
0x18: {  	p1 =	sne.s32 s4, s13;
	[sflag:s23] =	ssyncset.done @p0 $0x0  }
.Ltmp1:
0x19: {  	[sflag:s23] =	ssyncadd.s32 @p0 $0xFFFFD800;
	s23 =	simm.s32 @!p0 $0x2;
	(pc) =	sbr.rel @!p1 .LBB2_8-.Ltmp1, $4  }
0x1a: {  	[hbm:s11], [sflag:s15] =	dma.local @!p0 [spmem:s16], $0x2700  }
0x1b: {  	_ =	swait.ge @!p0 [sflag:s23], $0x2700  }
0x1c: {  	[sflag:s23] =	ssyncset.done @!p0 $0x0  }
0x1d: {  	[sflag:s23] =	ssyncadd.s32 @!p0 $0xFFFFD900  }
.LBB2_1:
0x1e: {  	s23 =	simm.s32 @p0 $0x1FC2  }
0x1f: {  	[spmem:s14], [sflag:s23] =	dma.local @p0 [hbm:s8], $0x2800  }
0x20: {  	s23 =	simm.s32 @p0 $0x2  }
0x21: {  	_ =	swait.ge @p0 [sflag:s23], $0x2800  }
0x22: {  	[sflag:s23] =	ssyncset.done @p0 $0x0  }
0x23: {  	[sflag:s23] =	ssyncadd.s32 @p0 $0xFFFFD800;
	s23 =	simm.s32 @!p0 $0x2  }
0x24: {  	[spmem:s16], [sflag:s15] =	dma.local @!p0 [hbm:s8], $0x2700  }
.Ltmp2:
0x25: {  	_ =	swait.ge @!p0 [sflag:s23], $0x2700;
	(pc) =	sbr.rel .LBB2_2-.Ltmp2, $4  }
0x26: {  	[sflag:s23] =	ssyncset.done @!p0 $0x0  }
0x27: {  	[sflag:s23] =	ssyncadd.s32 @!p0 $0xFFFFD900  }
0x28: {  	[bflag:$0x0] =	sbarrier.arrive $0xFFFF  }
0x29: {  	s23 =	simm.s32 $0x0  }
.LBB2_6:
0x2a: {  	s23 =	sadd.s32 $0x1, s23  }
0x2b: {  	p1 =	sne.s32 s23, $0x4F  }
.Ltmp3:
0x2c: {  	_ = 	snop;
	(pc) =	sbr.rel @!p1 .LBB2_7-.Ltmp3, $1  }
0x2d: {  	_ =	sdelay $0x3  }
.LBB2_2:
0x2e: {  	s24 =	sshll.u32 s23, $0x5  }
0x2f: {  	s24 =	sor.u32 s9, s24  }
0x30: {  	p1 =	sgt.u32 s24, $0x9C3  }
.Ltmp4:
0x31: {  	_ = 	snop;
	(pc) =	sbr.rel @p1 .LBB2_6-.Ltmp4, $1  }
0x32: {  	_ =	sdelay $0x3  }
0x33: {  	s25 =	sshll.u32 s24, $0x4  }
0x34: {  	s25 =	sand.u32 $0xFF80, s25  }
0x35: {  	s25 =	sor.u32 s10, s25  }
0x36: {  	s26 =	sadd.s32 s7, s25  }
0x37: {  	[tilespmem:s28], [sflag:$0x3] =	stream.linear.gather [hbm4b:s26+s28], $0x80, $0x38;
	[tilespmem:$0x1B980] =	vst v63  }
0x38: {  	_ =	swait.ge [sflag:s17], $0x80  }
0x39: {  	[sflag:s17] =	ssyncset.done $0x0  }
0x3a: {  	s25 =	sadd.s32 s2, s25;
	[sflag:s17] =	ssyncadd.s32 $0xFFFFFF80  }
0x3b: {  	[tilespmem:s18], [sflag:$0x3] =	stream.linear.gather [hbm4b:s25+s28], $0x80, $0x38;
	[tilespmem:$0x1B980] =	vst v63  }
0x3c: {  	_ =	swait.ge [sflag:s17], $0x80  }
0x3d: {  	s31 =	sshll.u32 s24, $0xB;
	[sflag:s17] =	ssyncset.done $0x0  }
0x3e: {  	s24 =	sadd.s32 s6, s31;
	[sflag:s17] =	ssyncadd.s32 $0xFFFFFF80  }
0x3f: {  	[tilespmem:s19], [sflag:$0x3] =	stream.linear.gather [hbm4b:s24+s28], $0x4000, $0x38;
	[tilespmem:$0x1B980] =	vst v63  }
0x40: {  	_ =	swait.ge [sflag:s17], $0x4000  }
0x41: {  	[sflag:s17] =	ssyncset.done $0x0  }
0x42: {  	[sflag:s17] =	ssyncadd.s32 $0xFFFFC000  }
0x43: {  	[tilespmem:s20], [sflag:$0x1] =	stream.indirect.gather [hbm4b:s1+s18], $0x80, s28, s18, $0xb8;
	[tilespmem:$0x1B980] =	vst v63  }
0x44: {  	_ =	swait.ge [sflag:s21], $0x4000  }
0x45: {  	[sflag:s21] =	ssyncset.done $0x0  }
0x46: {  	s24 =	simm.s32 $0x0;
	[sflag:s21] =	ssyncadd.s32 $0xFFFFC000  }
0x47: {  	v6 =	vld [tilespmem:s24+$0x100]  }
0x48: {  	v11 =	vld [tilespmem:s24+$0x110]  }
0x49: {  	v5 =	vld [tilespmem:s24+$0x120]  }
0x4a: {  	v4 =	vld [tilespmem:s24+$0x130]  }
0x4b: {  	v3 =	vld [tilespmem:s24+$0x140]  }
0x4c: {  	v2 =	vld [tilespmem:s24+$0x150]  }
0x4d: {  	v1 =	vld [tilespmem:s24+$0x160]  }
0x4e: {  	v0 =	vld [tilespmem:s24+$0x170]  }
0x4f: {  	v12 =	vld [tilespmem:s24+$0x4100]  }
0x50: {  	v13 =	vld [tilespmem:s24+$0x4110]  }
0x51: {  	v10 =	vld [tilespmem:s24+$0x4120]  }
0x52: {  	v9 =	vld [tilespmem:s24+$0x4130]  }
0x53: {  	v8 =	vld [tilespmem:s24+$0x4140]  }
0x54: {  	v7 =	vld [tilespmem:s24+$0x4150];
	v12 =	vadd.f32 v12, v6  }
0x55: {  	s25 =	simm.s32 $0x200;
	v11 =	vadd.f32 v13, v11;
	v6 =	vld [tilespmem:s24+$0x4160]  }
.LBB2_4:
0x56: {  	s26 =	sshra.s32 s25, $0x2;
	p1 =	sne.s32 s25, $0xFE00;
	v12 =	vmax.f32 v12, $0.0e+00;
	v5 =	vadd.f32 v10, v5;
	v10 =	vld [tilespmem:s24+$0x4170]  }
0x57: {  	v13 =	vld [tilespmem:s26+$0x100];
	[tilespmem:s24+$0x4100] =	vst v12;
	v11 =	vmax.f32 v11, $0.0e+00;
	v4 =	vadd.f32 v9, v4  }
0x58: {  	v14 =	vld [tilespmem:s26+$0x110];
	[tilespmem:s24+$0x4110] =	vst v11;
	v9 =	vmax.f32 v5, $0.0e+00;
	v3 =	vadd.f32 v8, v3  }
0x59: {  	v5 =	vld [tilespmem:s26+$0x120];
	[tilespmem:s24+$0x4120] =	vst v9;
	v8 =	vmax.f32 v4, $0.0e+00;
	v2 =	vadd.f32 v7, v2  }
0x5a: {  	v4 =	vld [tilespmem:s26+$0x130];
	[tilespmem:s24+$0x4130] =	vst v8;
	v7 =	vmax.f32 v3, $0.0e+00;
	v1 =	vadd.f32 v6, v1  }
0x5b: {  	v3 =	vld [tilespmem:s26+$0x140];
	[tilespmem:s24+$0x4140] =	vst v7;
	v6 =	vmax.f32 v2, $0.0e+00;
	v0 =	vadd.f32 v10, v0  }
0x5c: {  	v2 =	vld [tilespmem:s26+$0x150];
	[tilespmem:s24+$0x4150] =	vst v6;
	v6 =	vmax.f32 v1, $0.0e+00  }
0x5d: {  	v1 =	vld [tilespmem:s26+$0x160];
	[tilespmem:s24+$0x4160] =	vst v6;
	v6 =	vmax.f32 v0, $0.0e+00  }
0x5e: {  	v0 =	vld [tilespmem:s26+$0x170];
	[tilespmem:s24+$0x4170] =	vst v6;
	s24 =	smov.u32 s26  }
0x5f: {  	v6 =	vld [tilespmem:s24+$0x4100]  }
0x60: {  	v11 =	vld [tilespmem:s24+$0x4110]  }
.Ltmp5:
0x61: {  	v10 =	vld [tilespmem:s24+$0x4120];
	(pc) =	sbr.rel @p1 .LBB2_4-.Ltmp5, $4  }
0x62: {  	v9 =	vld [tilespmem:s24+$0x4130]  }
0x63: {  	v8 =	vld [tilespmem:s24+$0x4140]  }
0x64: {  	v12 =	vadd.f32 v6, v13;
	v7 =	vld [tilespmem:s24+$0x4150]  }
0x65: {  	s25 =	sadd.s32 $0x200, s25;
	v11 =	vadd.f32 v11, v14;
	v6 =	vld [tilespmem:s24+$0x4160]  }
0x66: {  	v12 =	vmax.f32 v12, $0.0e+00;
	v5 =	vadd.f32 v10, v5;
	v63 =	vld [tilespmem:s24+$0x4170]  }
0x67: {  	[tilespmem:s24+$0x4100] =	vst v12;
	v11 =	vmax.f32 v11, $0.0e+00;
	v4 =	vadd.f32 v9, v4  }
0x68: {  	[tilespmem:s24+$0x4110] =	vst v11;
	v5 =	vmax.f32 v5, $0.0e+00;
	v3 =	vadd.f32 v8, v3  }
0x69: {  	[tilespmem:s24+$0x4120] =	vst v5;
	v4 =	vmax.f32 v4, $0.0e+00;
	v2 =	vadd.f32 v7, v2  }
0x6a: {  	[tilespmem:s24+$0x4130] =	vst v4;
	v3 =	vmax.f32 v3, $0.0e+00;
	v1 =	vadd.f32 v6, v1  }
0x6b: {  	[tilespmem:s24+$0x4140] =	vst v3;
	v2 =	vmax.f32 v2, $0.0e+00;
	v0 =	vadd.f32 v63, v0  }
0x6c: {  	[tilespmem:s24+$0x4150] =	vst v2;
	v1 =	vmax.f32 v1, $0.0e+00  }
0x6d: {  	[tilespmem:s24+$0x4160] =	vst v1;
	v0 =	vmax.f32 v0, $0.0e+00  }
.Ltmp6:
0x6e: {  	[tilespmem:s24+$0x4170] =	vst v0;
	(pc) =	sbr.rel .LBB2_6-.Ltmp6, $4  }
0x6f: {  	[spmem:s3] =	stream.indirect.scatter.add.f32 [tilespmem:s19], [sflag:$0x2], $0x80, s18, s18, $0xb8;
	[tilespmem:$0x1B980] =	vst v63  }
0x70: {  	_ =	swait.ge [sflag:s22], $0x4000  }
0x71: {  	[sflag:s22] =	ssyncset.done $0x0  }
0x72: {  	[sflag:s22] =	ssyncadd.s32 $0xFFFFC000  }
.LBB2_8:
0x73: {  	_ =	sfence.sel $0x180000  }
0x74: {  	[bflag:$0x0] =	sbarrier.arrive $0xFFFF  }
0x75: {  	p0 =	sne.s32 s5, $0x0;
	_ =	strace $0x90000047  }
0x76: {  	s0 =	sadd.s32 @!p0 $0x100000, s0;
	[bflag:$0x2] =	sbarrier.arrive $0xFFFF  }
0x77: {  	[sflag:s0] =	ssyncadd.tile.s32 @!p0 $0x1;
	_ =	shalt  }
.Lfunc_end2:
_tile_overlayer_lowered:
.L_overlay_start_2:
0x78: {  	(tag) =	ssettag $0x2  }
0x79: {  	s0 =	rddreg [dreg:$0x0];
	s2 =	stileid.u32  }
0x7a: {  	s1 =	rddreg [dreg:$0x1];
	p0 =	sne.s32 s2, $0x0  }
0x7b: {  	s3 =	rddreg [dreg:$0x2];
	[bflag:$0x3] =	sbarrier.arrive $0xFFFF;
	s2 =	simm.s32 @!p0 $0x1C02  }
0x7c: {  	[timem:s3], [sflag:s2] =	dma.local @!p0 [hbm:s0], s1  }
0x7d: {  	s0 =	simm.s32 @!p0 $0x2  }
0x7e: {  	_ =	swait.ge @!p0 [sflag:s0], s1  }
0x7f: {  	s1 =	ssub.s32 @!p0 $0x0, s1;
	[sflag:s0] =	ssyncset.done @!p0 $0x0  }
0x80: {  	[sflag:s0] =	ssyncadd.s32 @!p0 s1  }
0x81: {  	[bflag:$0x3] =	sbarrier.arrive $0xFFFF  }
0x82: {  	_ =	shalt  }

</sc_bundles>
